<compile_context>
chip_gen: v7x
topology: tpu7x:2x2x1
jax: 0.10.2.dev20260603
libtpu: 0.0.44.dev20260713+nightly
codegen_flags: <defaults>
</compile_context>

<pallas_src>
import functools

import jax
import jax.numpy as jnp
from jax.experimental import pallas as pl

WINDOW = 512
HEAD_DIM = 64
BQ = 512
NEG_INF = float("-inf")


def _attn_kernel(q_ref, k_ref, v_ref, o_ref, *, seq_len):
    scale = 1.0 / (HEAD_DIM ** 0.5)
    nq = seq_len // BQ
    for i in range(nq):
        qi = q_ref[0, i * BQ:(i + 1) * BQ, :] * scale
        if i == 0:
            ks = k_ref[0, 0:BQ, :]
            vs = v_ref[0, 0:BQ, :]
            q_idx = jax.lax.broadcasted_iota(jnp.int32, (BQ, BQ), 0)
            kv_idx = jax.lax.broadcasted_iota(jnp.int32, (BQ, BQ), 1)
            mask = q_idx >= kv_idx
        else:
            start = (i - 1) * BQ
            ks = k_ref[0, start:start + 2 * BQ, :]
            vs = v_ref[0, start:start + 2 * BQ, :]
            q_idx = i * BQ + jax.lax.broadcasted_iota(
                jnp.int32, (BQ, 2 * BQ), 0)
            kv_idx = start + jax.lax.broadcasted_iota(
                jnp.int32, (BQ, 2 * BQ), 1)
            diff = q_idx - kv_idx
            mask = (diff >= 0) & (diff <= WINDOW)
        scores = jax.lax.dot_general(
            qi, ks, (((1,), (1,)), ((), ())),
            preferred_element_type=jnp.float32)
        scores = jnp.where(mask, scores, NEG_INF)
        m = jnp.max(scores, axis=-1, keepdims=True)
        p = jnp.exp(scores - m)
        l = jnp.sum(p, axis=-1, keepdims=True)
        o = jax.lax.dot_general(
            p, vs, (((1,), (0,)), ((), ())),
            preferred_element_type=jnp.float32)
        o_ref[0, i * BQ:(i + 1) * BQ, :] = o / l


def kernel(qkv):
    b, l, _, h, e = qkv.shape
    qkv_t = jnp.transpose(qkv, (2, 0, 3, 1, 4))
    qkv_t = qkv_t.reshape(3, b * h, l, e)
    q, k, v = qkv_t[0], qkv_t[1], qkv_t[2]

    out = pl.pallas_call(
        functools.partial(_attn_kernel, seq_len=l),
        grid=(b * h,),
        in_specs=[
            pl.BlockSpec((1, l, e), lambda i: (i, 0, 0)),
            pl.BlockSpec((1, l, e), lambda i: (i, 0, 0)),
            pl.BlockSpec((1, l, e), lambda i: (i, 0, 0)),
        ],
        out_specs=pl.BlockSpec((1, l, e), lambda i: (i, 0, 0)),
        out_shape=jax.ShapeDtypeStruct((b * h, l, e), jnp.float32),
    )(q, k, v)

    return jnp.transpose(out.reshape(b, h, l, e), (0, 2, 1, 3))

# --- scband reference (transcript-rebuilt; emitter-appended) ---
"""Pipeline reference for scband-flex-attention-46823733461303 (READ-ONLY COPY).

The authoritative reference and input builder live on the scoring server;
editing this copy changes nothing except your own understanding.
"""

import jax, jax.numpy as jnp
import numpy as np

WINDOW = 512
HEAD_DIM = 64


def setup_inputs(seed: int = 0) -> dict:
    key = jax.random.key(seed)
    qkv = jax.random.normal(key, (2, 2048, 3, 12, 64), dtype=jnp.float32)
    return {"qkv": qkv}


def reference(qkv):
    # qkv: (b, l, 3, h, e). Training path of FlexAttention:
    # rearrange 'b l three h e -> b h three l e', unbind, flex_attention with
    # identity score_mod and (sliding-window AND causal) mask, default scale 1/sqrt(e).
    q = jnp.transpose(qkv[:, :, 0], (0, 2, 1, 3))  # b h l e
    k = jnp.transpose(qkv[:, :, 1], (0, 2, 1, 3))
    v = jnp.transpose(qkv[:, :, 2], (0, 2, 1, 3))
    L = q.shape[2]
    scale = 1.0 / np.sqrt(HEAD_DIM)
    scores = jnp.einsum('bhqe,bhke->bhqk', q, k) * scale
    q_idx = jnp.arange(L)[:, None]
    kv_idx = jnp.arange(L)[None, :]
    mask = (q_idx >= kv_idx) & ((q_idx - kv_idx) <= WINDOW)
    scores = jnp.where(mask[None, None, :, :], scores, -jnp.inf)
    attn = jax.nn.softmax(scores, axis=-1)
    out = jnp.einsum('bhqk,bhke->bhqe', attn, v)
    # rearrange 'b h l e -> b l h e'
    return jnp.transpose(out, (0, 2, 1, 3))

if __name__ == "__main__":
    import jax
    _d = setup_inputs()
    print(jax.jit(kernel)(*tuple(_d.values())))

</pallas_src>

<mosaic_0001>
module attributes {stable_mosaic.version = 14 : i64} {
  func.func @_attn_kernel(%arg0: i32, %arg1: memref<1x2048x64xf32, #tpu.memory_space<vmem>>, %arg2: memref<1x2048x64xf32, #tpu.memory_space<vmem>>, %arg3: memref<1x2048x64xf32, #tpu.memory_space<vmem>>, %arg4: memref<1x2048x64xf32, #tpu.memory_space<vmem>>) attributes {dimension_semantics = [#tpu.dimension_semantics<arbitrary>], iteration_bounds = array<i64: 24>, scalar_prefetch = 0 : i64, scratch_operands = 0 : i64, tpu.core_type = #tpu.core_type<tc>, window_params = [{transform_indices = @transform_0, window_bounds = array<i64: 1, 2048, 64>}, {transform_indices = @transform_1, window_bounds = array<i64: 1, 2048, 64>}, {transform_indices = @transform_2, window_bounds = array<i64: 1, 2048, 64>}, {transform_indices = @transform_3, window_bounds = array<i64: 1, 2048, 64>}]} {
    %get3A = arith.constant 0 : index
    %get3A_0 = arith.constant 0 : index
    %get3A_1 = arith.constant 0 : index
    %get3A_2 = vector.load %arg1[%get3A, %get3A_0, %get3A_1] : memref<1x2048x64xf32, #tpu.memory_space<vmem>>, vector<1x512x64xf32>
    %get3A_3 = vector.shape_cast %get3A_2 : vector<1x512x64xf32> to vector<512x64xf32>
    %mul3A = arith.constant 1.250000e-01 : f32
    %mul3A_4 = vector.broadcast %mul3A : f32 to vector<512x64xf32>
    %mul3A_5 = arith.mulf %get3A_3, %mul3A_4 : vector<512x64xf32>
    %get3A_6 = arith.constant 0 : index
    %get3A_7 = arith.constant 0 : index
    %get3A_8 = arith.constant 0 : index
    %get3A_9 = vector.load %arg2[%get3A_6, %get3A_7, %get3A_8] : memref<1x2048x64xf32, #tpu.memory_space<vmem>>, vector<1x512x64xf32>
    %get3A_10 = vector.shape_cast %get3A_9 : vector<1x512x64xf32> to vector<512x64xf32>
    %get3A_11 = arith.constant 0 : index
    %get3A_12 = arith.constant 0 : index
    %get3A_13 = arith.constant 0 : index
    %get3A_14 = vector.load %arg3[%get3A_11, %get3A_12, %get3A_13] : memref<1x2048x64xf32, #tpu.memory_space<vmem>>, vector<1x512x64xf32>
    %get3A_15 = vector.shape_cast %get3A_14 : vector<1x512x64xf32> to vector<512x64xf32>
    %iota3A = tpu.iota {dimensions = array<i32: 0>} : vector<512x512xi32>
    %iota3A_16 = tpu.iota {dimensions = array<i32: 1>} : vector<512x512xi32>
    %ge3A = arith.cmpi sge, %iota3A, %iota3A_16 : vector<512x512xi32>
    %dot_general3A = arith.constant dense<0.000000e+00> : vector<512x512xf32>
    %dot_general3A_17 = tpu.matmul %mul3A_5, %get3A_10, %dot_general3A {dimension_numbers = #tpu.dot_dimension_numbers<[1], [1], [0], [0], [0, 0, 1, 0], [], []>, transpose_lhs_hint = false} : vector<512x64xf32>, vector<512x64xf32>, vector<512x512xf32> -> vector<512x512xf32>
    %jit3A = arith.constant 0xFF800000 : f32
    %broadcast_in_dim3A = vector.broadcast %jit3A : f32 to vector<512x512xf32>
    %select_n3A = arith.select %ge3A, %dot_general3A_17, %broadcast_in_dim3A : vector<512x512xi1>, vector<512x512xf32>
    %reduce_max3A = arith.constant dense<0xFF800000> : vector<512xf32>
    %reduce_max3A_18 = vector.multi_reduction <maximumf>, %select_n3A, %reduce_max3A [1] : vector<512x512xf32> to vector<512xf32>
    %broadcast_in_dim3A_19 = vector.shape_cast %reduce_max3A_18 : vector<512xf32> to vector<512x1xf32>
    %sub3A = vector.broadcast %broadcast_in_dim3A_19 : vector<512x1xf32> to vector<512x512xf32>
    %sub3A_20 = arith.subf %select_n3A, %sub3A : vector<512x512xf32>
    %exp3A = math.exp %sub3A_20 : vector<512x512xf32>
    %reduce_sum3A = arith.constant dense<0.000000e+00> : vector<512xf32>
    %reduce_sum3A_21 = vector.multi_reduction <add>, %exp3A, %reduce_sum3A [1] : vector<512x512xf32> to vector<512xf32>
    %broadcast_in_dim3A_22 = vector.shape_cast %reduce_sum3A_21 : vector<512xf32> to vector<512x1xf32>
    %dot_general3A_23 = arith.constant dense<0.000000e+00> : vector<512x64xf32>
    %dot_general3A_24 = tpu.matmul %exp3A, %get3A_15, %dot_general3A_23 {dimension_numbers = #tpu.dot_dimension_numbers<[1], [0], [0], [1], [0, 0, 1, 1], [], []>, transpose_lhs_hint = false} : vector<512x512xf32>, vector<512x64xf32>, vector<512x64xf32> -> vector<512x64xf32>
    %div3A = vector.broadcast %broadcast_in_dim3A_22 : vector<512x1xf32> to vector<512x64xf32>
    %div3A_25 = arith.divf %dot_general3A_24, %div3A : vector<512x64xf32>
    %swap3A = arith.constant 0 : index
    %swap3A_26 = arith.constant 0 : index
    %swap3A_27 = arith.constant 0 : index
    %swap3A_28 = vector.load %arg4[%swap3A, %swap3A_26, %swap3A_27] : memref<1x2048x64xf32, #tpu.memory_space<vmem>>, vector<1x512x64xf32>
    %swap3A_29 = vector.shape_cast %swap3A_28 : vector<1x512x64xf32> to vector<512x64xf32>
    %swap3A_30 = vector.shape_cast %div3A_25 : vector<512x64xf32> to vector<1x512x64xf32>
    tpu.vector_store %arg4[%swap3A, %swap3A_26, %swap3A_27], %swap3A_30 {strides = array<i32>} : memref<1x2048x64xf32, #tpu.memory_space<vmem>>, vector<1x512x64xf32>,
    %get3A_31 = arith.constant 0 : index
    %get3A_32 = arith.constant 512 : index
    %get3A_33 = arith.constant 0 : index
    %get3A_34 = vector.load %arg1[%get3A_31, %get3A_32, %get3A_33] : memref<1x2048x64xf32, #tpu.memory_space<vmem>>, vector<1x512x64xf32>
    %get3A_35 = vector.shape_cast %get3A_34 : vector<1x512x64xf32> to vector<512x64xf32>
    %mul3A_36 = arith.constant 1.250000e-01 : f32
    %mul3A_37 = vector.broadcast %mul3A_36 : f32 to vector<512x64xf32>
    %mul3A_38 = arith.mulf %get3A_35, %mul3A_37 : vector<512x64xf32>
    %get3A_39 = arith.constant 0 : index
    %get3A_40 = arith.constant 0 : index
    %get3A_41 = arith.constant 0 : index
    %get3A_42 = vector.load %arg2[%get3A_39, %get3A_40, %get3A_41] : memref<1x2048x64xf32, #tpu.memory_space<vmem>>, vector<1x1024x64xf32>
    %get3A_43 = vector.shape_cast %get3A_42 : vector<1x1024x64xf32> to vector<1024x64xf32>
    %get3A_44 = arith.constant 0 : index
    %get3A_45 = arith.constant 0 : index
    %get3A_46 = arith.constant 0 : index
    %get3A_47 = vector.load %arg3[%get3A_44, %get3A_45, %get3A_46] : memref<1x2048x64xf32, #tpu.memory_space<vmem>>, vector<1x1024x64xf32>
    %get3A_48 = vector.shape_cast %get3A_47 : vector<1x1024x64xf32> to vector<1024x64xf32>
    %iota3A_49 = tpu.iota {dimensions = array<i32: 0>} : vector<512x1024xi32>
    %add3A = arith.constant 512 : i32
    %add3A_50 = vector.broadcast %add3A : i32 to vector<512x1024xi32>
    %add3A_51 = arith.addi %add3A_50, %iota3A_49 : vector<512x1024xi32>
    %iota3A_52 = tpu.iota {dimensions = array<i32: 1>} : vector<512x1024xi32>
    %add3A_53 = arith.constant 0 : i32
    %add3A_54 = vector.broadcast %add3A_53 : i32 to vector<512x1024xi32>
    %add3A_55 = arith.addi %add3A_54, %iota3A_52 : vector<512x1024xi32>
    %sub3A_56 = arith.subi %add3A_51, %add3A_55 : vector<512x1024xi32>
    %ge3A_57 = arith.constant 0 : i32
    %ge3A_58 = vector.broadcast %ge3A_57 : i32 to vector<512x1024xi32>
    %ge3A_59 = arith.cmpi sge, %sub3A_56, %ge3A_58 : vector<512x1024xi32>
    %le3A = arith.constant 512 : i32
    %le3A_60 = vector.broadcast %le3A : i32 to vector<512x1024xi32>
    %le3A_61 = arith.cmpi sle, %sub3A_56, %le3A_60 : vector<512x1024xi32>
    %and3A = arith.andi %ge3A_59, %le3A_61 : vector<512x1024xi1>
    %dot_general3A_62 = arith.constant dense<0.000000e+00> : vector<512x1024xf32>
    %dot_general3A_63 = tpu.matmul %mul3A_38, %get3A_43, %dot_general3A_62 {dimension_numbers = #tpu.dot_dimension_numbers<[1], [1], [0], [0], [0, 0, 1, 0], [], []>, transpose_lhs_hint = false} : vector<512x64xf32>, vector<1024x64xf32>, vector<512x1024xf32> -> vector<512x1024xf32>
    %jit3A_64 = arith.constant 0xFF800000 : f32
    %broadcast_in_dim3A_65 = vector.broadcast %jit3A_64 : f32 to vector<512x1024xf32>
    %select_n3A_66 = arith.select %and3A, %dot_general3A_63, %broadcast_in_dim3A_65 : vector<512x1024xi1>, vector<512x1024xf32>
    %reduce_max3A_67 = arith.constant dense<0xFF800000> : vector<512xf32>
    %reduce_max3A_68 = vector.multi_reduction <maximumf>, %select_n3A_66, %reduce_max3A_67 [1] : vector<512x1024xf32> to vector<512xf32>
    %broadcast_in_dim3A_69 = vector.shape_cast %reduce_max3A_68 : vector<512xf32> to vector<512x1xf32>
    %sub3A_70 = vector.broadcast %broadcast_in_dim3A_69 : vector<512x1xf32> to vector<512x1024xf32>
    %sub3A_71 = arith.subf %select_n3A_66, %sub3A_70 : vector<512x1024xf32>
    %exp3A_72 = math.exp %sub3A_71 : vector<512x1024xf32>
    %reduce_sum3A_73 = arith.constant dense<0.000000e+00> : vector<512xf32>
    %reduce_sum3A_74 = vector.multi_reduction <add>, %exp3A_72, %reduce_sum3A_73 [1] : vector<512x1024xf32> to vector<512xf32>
    %broadcast_in_dim3A_75 = vector.shape_cast %reduce_sum3A_74 : vector<512xf32> to vector<512x1xf32>
    %dot_general3A_76 = arith.constant dense<0.000000e+00> : vector<512x64xf32>
    %dot_general3A_77 = tpu.matmul %exp3A_72, %get3A_48, %dot_general3A_76 {dimension_numbers = #tpu.dot_dimension_numbers<[1], [0], [0], [1], [0, 0, 1, 1], [], []>, transpose_lhs_hint = false} : vector<512x1024xf32>, vector<1024x64xf32>, vector<512x64xf32> -> vector<512x64xf32>
    %div3A_78 = vector.broadcast %broadcast_in_dim3A_75 : vector<512x1xf32> to vector<512x64xf32>
    %div3A_79 = arith.divf %dot_general3A_77, %div3A_78 : vector<512x64xf32>
    %swap3A_80 = arith.constant 0 : index
    %swap3A_81 = arith.constant 512 : index
    %swap3A_82 = arith.constant 0 : index
    %swap3A_83 = vector.load %arg4[%swap3A_80, %swap3A_81, %swap3A_82] : memref<1x2048x64xf32, #tpu.memory_space<vmem>>, vector<1x512x64xf32>
    %swap3A_84 = vector.shape_cast %swap3A_83 : vector<1x512x64xf32> to vector<512x64xf32>
    %swap3A_85 = vector.shape_cast %div3A_79 : vector<512x64xf32> to vector<1x512x64xf32>
    tpu.vector_store %arg4[%swap3A_80, %swap3A_81, %swap3A_82], %swap3A_85 {strides = array<i32>} : memref<1x2048x64xf32, #tpu.memory_space<vmem>>, vector<1x512x64xf32>,
    %get3A_86 = arith.constant 0 : index
    %get3A_87 = arith.constant 1024 : index
    %get3A_88 = arith.constant 0 : index
    %get3A_89 = vector.load %arg1[%get3A_86, %get3A_87, %get3A_88] : memref<1x2048x64xf32, #tpu.memory_space<vmem>>, vector<1x512x64xf32>
    %get3A_90 = vector.shape_cast %get3A_89 : vector<1x512x64xf32> to vector<512x64xf32>
    %mul3A_91 = arith.constant 1.250000e-01 : f32
    %mul3A_92 = vector.broadcast %mul3A_91 : f32 to vector<512x64xf32>
    %mul3A_93 = arith.mulf %get3A_90, %mul3A_92 : vector<512x64xf32>
    %get3A_94 = arith.constant 0 : index
    %get3A_95 = arith.constant 512 : index
    %get3A_96 = arith.constant 0 : index
    %get3A_97 = vector.load %arg2[%get3A_94, %get3A_95, %get3A_96] : memref<1x2048x64xf32, #tpu.memory_space<vmem>>, vector<1x1024x64xf32>
    %get3A_98 = vector.shape_cast %get3A_97 : vector<1x1024x64xf32> to vector<1024x64xf32>
    %get3A_99 = arith.constant 0 : index
    %get3A_100 = arith.constant 512 : index
    %get3A_101 = arith.constant 0 : index
    %get3A_102 = vector.load %arg3[%get3A_99, %get3A_100, %get3A_101] : memref<1x2048x64xf32, #tpu.memory_space<vmem>>, vector<1x1024x64xf32>
    %get3A_103 = vector.shape_cast %get3A_102 : vector<1x1024x64xf32> to vector<1024x64xf32>
    %iota3A_104 = tpu.iota {dimensions = array<i32: 0>} : vector<512x1024xi32>
    %add3A_105 = arith.constant 1024 : i32
    %add3A_106 = vector.broadcast %add3A_105 : i32 to vector<512x1024xi32>
    %add3A_107 = arith.addi %add3A_106, %iota3A_104 : vector<512x1024xi32>
    %iota3A_108 = tpu.iota {dimensions = array<i32: 1>} : vector<512x1024xi32>
    %add3A_109 = arith.constant 512 : i32
    %add3A_110 = vector.broadcast %add3A_109 : i32 to vector<512x1024xi32>
    %add3A_111 = arith.addi %add3A_110, %iota3A_108 : vector<512x1024xi32>
    %sub3A_112 = arith.subi %add3A_107, %add3A_111 : vector<512x1024xi32>
    %ge3A_113 = arith.constant 0 : i32
    %ge3A_114 = vector.broadcast %ge3A_113 : i32 to vector<512x1024xi32>
    %ge3A_115 = arith.cmpi sge, %sub3A_112, %ge3A_114 : vector<512x1024xi32>
    %le3A_116 = arith.constant 512 : i32
    %le3A_117 = vector.broadcast %le3A_116 : i32 to vector<512x1024xi32>
    %le3A_118 = arith.cmpi sle, %sub3A_112, %le3A_117 : vector<512x1024xi32>
    %and3A_119 = arith.andi %ge3A_115, %le3A_118 : vector<512x1024xi1>
    %dot_general3A_120 = arith.constant dense<0.000000e+00> : vector<512x1024xf32>
    %dot_general3A_121 = tpu.matmul %mul3A_93, %get3A_98, %dot_general3A_120 {dimension_numbers = #tpu.dot_dimension_numbers<[1], [1], [0], [0], [0, 0, 1, 0], [], []>, transpose_lhs_hint = false} : vector<512x64xf32>, vector<1024x64xf32>, vector<512x1024xf32> -> vector<512x1024xf32>
    %jit3A_122 = arith.constant 0xFF800000 : f32
    %broadcast_in_dim3A_123 = vector.broadcast %jit3A_122 : f32 to vector<512x1024xf32>
    %select_n3A_124 = arith.select %and3A_119, %dot_general3A_121, %broadcast_in_dim3A_123 : vector<512x1024xi1>, vector<512x1024xf32>
    %reduce_max3A_125 = arith.constant dense<0xFF800000> : vector<512xf32>
    %reduce_max3A_126 = vector.multi_reduction <maximumf>, %select_n3A_124, %reduce_max3A_125 [1] : vector<512x1024xf32> to vector<512xf32>
    %broadcast_in_dim3A_127 = vector.shape_cast %reduce_max3A_126 : vector<512xf32> to vector<512x1xf32>
    %sub3A_128 = vector.broadcast %broadcast_in_dim3A_127 : vector<512x1xf32> to vector<512x1024xf32>
    %sub3A_129 = arith.subf %select_n3A_124, %sub3A_128 : vector<512x1024xf32>
    %exp3A_130 = math.exp %sub3A_129 : vector<512x1024xf32>
    %reduce_sum3A_131 = arith.constant dense<0.000000e+00> : vector<512xf32>
    %reduce_sum3A_132 = vector.multi_reduction <add>, %exp3A_130, %reduce_sum3A_131 [1] : vector<512x1024xf32> to vector<512xf32>
    %broadcast_in_dim3A_133 = vector.shape_cast %reduce_sum3A_132 : vector<512xf32> to vector<512x1xf32>
    %dot_general3A_134 = arith.constant dense<0.000000e+00> : vector<512x64xf32>
    %dot_general3A_135 = tpu.matmul %exp3A_130, %get3A_103, %dot_general3A_134 {dimension_numbers = #tpu.dot_dimension_numbers<[1], [0], [0], [1], [0, 0, 1, 1], [], []>, transpose_lhs_hint = false} : vector<512x1024xf32>, vector<1024x64xf32>, vector<512x64xf32> -> vector<512x64xf32>
    %div3A_136 = vector.broadcast %broadcast_in_dim3A_133 : vector<512x1xf32> to vector<512x64xf32>
    %div3A_137 = arith.divf %dot_general3A_135, %div3A_136 : vector<512x64xf32>
    %swap3A_138 = arith.constant 0 : index
    %swap3A_139 = arith.constant 1024 : index
    %swap3A_140 = arith.constant 0 : index
    %swap3A_141 = vector.load %arg4[%swap3A_138, %swap3A_139, %swap3A_140] : memref<1x2048x64xf32, #tpu.memory_space<vmem>>, vector<1x512x64xf32>
    %swap3A_142 = vector.shape_cast %swap3A_141 : vector<1x512x64xf32> to vector<512x64xf32>
    %swap3A_143 = vector.shape_cast %div3A_137 : vector<512x64xf32> to vector<1x512x64xf32>
    tpu.vector_store %arg4[%swap3A_138, %swap3A_139, %swap3A_140], %swap3A_143 {strides = array<i32>} : memref<1x2048x64xf32, #tpu.memory_space<vmem>>, vector<1x512x64xf32>,
    %get3A_144 = arith.constant 0 : index
    %get3A_145 = arith.constant 1536 : index
    %get3A_146 = arith.constant 0 : index
    %get3A_147 = vector.load %arg1[%get3A_144, %get3A_145, %get3A_146] : memref<1x2048x64xf32, #tpu.memory_space<vmem>>, vector<1x512x64xf32>
    %get3A_148 = vector.shape_cast %get3A_147 : vector<1x512x64xf32> to vector<512x64xf32>
    %mul3A_149 = arith.constant 1.250000e-01 : f32
    %mul3A_150 = vector.broadcast %mul3A_149 : f32 to vector<512x64xf32>
    %mul3A_151 = arith.mulf %get3A_148, %mul3A_150 : vector<512x64xf32>
    %get3A_152 = arith.constant 0 : index
    %get3A_153 = arith.constant 1024 : index
    %get3A_154 = arith.constant 0 : index
    %get3A_155 = vector.load %arg2[%get3A_152, %get3A_153, %get3A_154] : memref<1x2048x64xf32, #tpu.memory_space<vmem>>, vector<1x1024x64xf32>
    %get3A_156 = vector.shape_cast %get3A_155 : vector<1x1024x64xf32> to vector<1024x64xf32>
    %get3A_157 = arith.constant 0 : index
    %get3A_158 = arith.constant 1024 : index
    %get3A_159 = arith.constant 0 : index
    %get3A_160 = vector.load %arg3[%get3A_157, %get3A_158, %get3A_159] : memref<1x2048x64xf32, #tpu.memory_space<vmem>>, vector<1x1024x64xf32>
    %get3A_161 = vector.shape_cast %get3A_160 : vector<1x1024x64xf32> to vector<1024x64xf32>
    %iota3A_162 = tpu.iota {dimensions = array<i32: 0>} : vector<512x1024xi32>
    %add3A_163 = arith.constant 1536 : i32
    %add3A_164 = vector.broadcast %add3A_163 : i32 to vector<512x1024xi32>
    %add3A_165 = arith.addi %add3A_164, %iota3A_162 : vector<512x1024xi32>
    %iota3A_166 = tpu.iota {dimensions = array<i32: 1>} : vector<512x1024xi32>
    %add3A_167 = arith.constant 1024 : i32
    %add3A_168 = vector.broadcast %add3A_167 : i32 to vector<512x1024xi32>
    %add3A_169 = arith.addi %add3A_168, %iota3A_166 : vector<512x1024xi32>
    %sub3A_170 = arith.subi %add3A_165, %add3A_169 : vector<512x1024xi32>
    %ge3A_171 = arith.constant 0 : i32
    %ge3A_172 = vector.broadcast %ge3A_171 : i32 to vector<512x1024xi32>
    %ge3A_173 = arith.cmpi sge, %sub3A_170, %ge3A_172 : vector<512x1024xi32>
    %le3A_174 = arith.constant 512 : i32
    %le3A_175 = vector.broadcast %le3A_174 : i32 to vector<512x1024xi32>
    %le3A_176 = arith.cmpi sle, %sub3A_170, %le3A_175 : vector<512x1024xi32>
    %and3A_177 = arith.andi %ge3A_173, %le3A_176 : vector<512x1024xi1>
    %dot_general3A_178 = arith.constant dense<0.000000e+00> : vector<512x1024xf32>
    %dot_general3A_179 = tpu.matmul %mul3A_151, %get3A_156, %dot_general3A_178 {dimension_numbers = #tpu.dot_dimension_numbers<[1], [1], [0], [0], [0, 0, 1, 0], [], []>, transpose_lhs_hint = false} : vector<512x64xf32>, vector<1024x64xf32>, vector<512x1024xf32> -> vector<512x1024xf32>
    %jit3A_180 = arith.constant 0xFF800000 : f32
    %broadcast_in_dim3A_181 = vector.broadcast %jit3A_180 : f32 to vector<512x1024xf32>
    %select_n3A_182 = arith.select %and3A_177, %dot_general3A_179, %broadcast_in_dim3A_181 : vector<512x1024xi1>, vector<512x1024xf32>
    %reduce_max3A_183 = arith.constant dense<0xFF800000> : vector<512xf32>
    %reduce_max3A_184 = vector.multi_reduction <maximumf>, %select_n3A_182, %reduce_max3A_183 [1] : vector<512x1024xf32> to vector<512xf32>
    %broadcast_in_dim3A_185 = vector.shape_cast %reduce_max3A_184 : vector<512xf32> to vector<512x1xf32>
    %sub3A_186 = vector.broadcast %broadcast_in_dim3A_185 : vector<512x1xf32> to vector<512x1024xf32>
    %sub3A_187 = arith.subf %select_n3A_182, %sub3A_186 : vector<512x1024xf32>
    %exp3A_188 = math.exp %sub3A_187 : vector<512x1024xf32>
    %reduce_sum3A_189 = arith.constant dense<0.000000e+00> : vector<512xf32>
    %reduce_sum3A_190 = vector.multi_reduction <add>, %exp3A_188, %reduce_sum3A_189 [1] : vector<512x1024xf32> to vector<512xf32>
    %broadcast_in_dim3A_191 = vector.shape_cast %reduce_sum3A_190 : vector<512xf32> to vector<512x1xf32>
    %dot_general3A_192 = arith.constant dense<0.000000e+00> : vector<512x64xf32>
    %dot_general3A_193 = tpu.matmul %exp3A_188, %get3A_161, %dot_general3A_192 {dimension_numbers = #tpu.dot_dimension_numbers<[1], [0], [0], [1], [0, 0, 1, 1], [], []>, transpose_lhs_hint = false} : vector<512x1024xf32>, vector<1024x64xf32>, vector<512x64xf32> -> vector<512x64xf32>
    %div3A_194 = vector.broadcast %broadcast_in_dim3A_191 : vector<512x1xf32> to vector<512x64xf32>
    %div3A_195 = arith.divf %dot_general3A_193, %div3A_194 : vector<512x64xf32>
    %swap3A_196 = arith.constant 0 : index
    %swap3A_197 = arith.constant 1536 : index
    %swap3A_198 = arith.constant 0 : index
    %swap3A_199 = vector.load %arg4[%swap3A_196, %swap3A_197, %swap3A_198] : memref<1x2048x64xf32, #tpu.memory_space<vmem>>, vector<1x512x64xf32>
    %swap3A_200 = vector.shape_cast %swap3A_199 : vector<1x512x64xf32> to vector<512x64xf32>
    %swap3A_201 = vector.shape_cast %div3A_195 : vector<512x64xf32> to vector<1x512x64xf32>
    tpu.vector_store %arg4[%swap3A_196, %swap3A_197, %swap3A_198], %swap3A_201 {strides = array<i32>} : memref<1x2048x64xf32, #tpu.memory_space<vmem>>, vector<1x512x64xf32>,
    return
  }
  func.func @transform_0(%arg0: i32) -> (i32, i32, i32) {
    %c0_i32 = arith.constant 0 : i32
    %c0_i32_0 = arith.constant 0 : i32
    %c0_i32_1 = arith.constant 0 : i32
    return %arg0, %c0_i32, %c0_i32_0 : i32, i32, i32
  }
  func.func @transform_1(%arg0: i32) -> (i32, i32, i32) {
    %c0_i32 = arith.constant 0 : i32
    %c0_i32_0 = arith.constant 0 : i32
    %c0_i32_1 = arith.constant 0 : i32
    return %arg0, %c0_i32, %c0_i32_0 : i32, i32, i32
  }
  func.func @transform_2(%arg0: i32) -> (i32, i32, i32) {
    %c0_i32 = arith.constant 0 : i32
    %c0_i32_0 = arith.constant 0 : i32
    %c0_i32_1 = arith.constant 0 : i32
    return %arg0, %c0_i32, %c0_i32_0 : i32, i32, i32
  }
  func.func @transform_3(%arg0: i32) -> (i32, i32, i32) {
    %c0_i32 = arith.constant 0 : i32
    %c0_i32_0 = arith.constant 0 : i32
    %c0_i32_1 = arith.constant 0 : i32
    return %arg0, %c0_i32, %c0_i32_0 : i32, i32, i32
  }
}

</mosaic_0001>

<sc_bundles>
// kernel: sparse-core-data-format-call.cloned.1.call-start
scs
called_computation_lowered:
.L_overlay_start_0:
0x0: {  	s2 =	sld [smem:$0x3FD9]  }
0x1: {  	s3 =	sld [smem:$0x3FFE];
	_ =	sdelay $0x1  }
0x2: {  	s1 =	srdreg.scid  }
0x3: {  	s0 =	sand.u32 $0x1, s1  }
0x4: {  	s18 =	sshll.u32 s0, $0xA;
	s2 =	sadd.s32 s3, s2  }
0x5: {  	s2 =	sadd.s32 s2, s18  }
0x6: {  	[smem:$0x3FC7] =	sst s2  }
0x7: {  	_ = 	snop  }
0x8: {  	s2 =	sld [smem:$0x3FC9];
	(tm) =	ssettm $0x1  }
0x9: {  	s19 =	sld [smem:$0x3FFB];
	_ =	sdelay $0x3  }
0xa: {  	_ =	strace s19  }
0xb: {  	s3 =	sld [smem:$0x3FFC];
	_ =	sdelay $0x3  }
0xc: {  	_ =	strace s3  }
0xd: {  	s3 =	sld [smem:$0x3FFD];
	_ =	sdelay $0x3  }
0xe: {  	_ =	strace s3  }
0xf: {  	_ =	strace $0x8FFFFFFF  }
0x10: {  	s20 =	sld [smem:$0x3FDB];
	_ =	sdelay $0x1  }
0x11: {  	s4 =	simm.s32 $_scs_section_size  }
0x12: {  	s5 =	simm.s32 $_size__tile_overlayer_lowered;
	s6 =	simm.s32 $_tile_overlayer_lowered  }
0x13: {  	s23 =	simm.s32 $0x1BFF;
	s22 =	sshll.u32 s6, $0x1;
	s3 =	sadd.s32 s4, s20  }
0x14: {  	s7 =	simm.s32 $0x0;
	s21 =	sshll.u32 s5, $0x1;
	s5 =	sadd.s32 s22, s3  }
0x15: {  	[timem:s7], [sflag:s23] =	dma.local [hbm:s5], s21  }
0x16: {  	_ =	swait.ge [sflag:s23], s21  }
0x17: {  	s4 =	ssub.s32 $0x0, s21;
	[sflag:s23] =	ssyncset.done $0x0  }
0x18: {  	[sflag:s23] =	ssyncadd.s32 s4;
	_ =	sdelay $0x1  }
0x19: {  	s24 =	simm.s32 $0x1B8B  }
0x1a: {  	_ =	swait.ge [sflag:s24], $0x1  }
0x1b: {  	[sflag:s24] =	ssyncset.done $0x0  }
0x1c: {  	s26 =	simm.s32 $0x1B8E;
	s25 =	sld [smem:$0x3FFE];
	[sflag:s24] =	ssyncadd.s32 $0xFFFFFFFF  }
0x1d: {  	s27 =	simm.s32 $execute0_lowered;
	[smem:$0x3FD2] =	sst s26  }
0x1e: {  	s5 =	sshll.u32 s27, $0x1;
	_ =	strace $0x80000046;
	[dreg:$0x1] =	wrdreg $0xFFFFFFFF  }
0x1f: {  	s28 =	simm.s32 $_size_execute0_lowered;
	s3 =	sadd.s32 s3, s5;
	[dreg:$0x0] =	wrdreg $0x0  }
0x20: {  	s5 =	sshll.u32 s28, $0x1;
	[dreg:$0x2] =	wrdreg s3  }
0x21: {  	[dreg:$0x3] =	wrdreg s5  }
0x22: {  	[dreg:$0x4] =	wrdreg $0xC0  }
0x23: {  	_ =	task [dreg:s7], $0x5FFFF  }
0x24: {  	[dreg:$0x1] =	wrdreg $0xFFFFFFFF  }
0x25: {  	[dreg:$0x0] =	wrdreg $0x60  }
0x26: {  	[dreg:$0x2] =	wrdreg s2  }
0x27: {  	[dreg:$0x3] =	wrdreg s25  }
0x28: {  	[dreg:$0x4] =	wrdreg $0x9  }
0x29: {  	_ =	task.clear_ibuf [dreg:s7], $0x5FFFF;
	_ =	strace $0x90000046  }
0x2a: {  	s29 =	simm.s32 $0x9;
	_ =	strace $0x80000048  }
0x2b: {  	_ =	swait.ge [sflag:s29], $0x1  }
0x2c: {  	[sflag:s29] =	ssyncadd.s32 $0xFFFFFFFF  }
0x2d: {  	_ =	strace $0x90000048  }
0x2e: {  	_ =	sfence  }
0x2f: {  	s30 =	sld [smem:$0x0];
	_ =	sdelay $0x2  }
0x30: {  	s31 =	sshll.u32 s1, $0xD;
	s1 =	sshrl.u32 s1, $0x2  }
0x31: {  	s3 =	sand.u32 $0x4000, s31;
	s1 =	sadd.s32 s1, s30  }
0x32: {  	s0 =	sor.u32 s3, s0;
	s1 =	sshll.u32 s1, $0x11  }
0x33: {  	s0 =	sor.u32 s1, s0  }
0x34: {  	s0 =	sadd.s32 $0x8F2B, s0  }
0x35: {  	[sflag:s0] =	ssyncadd.remote.s32 $0x1  }
0x36: {  	_ =	sfence.sel $0xFFFF  }
0x37: {  	[dreg:$0x0] =	wrdreg $0xFFFFFFFF;
	(pc) =	sbr.abs _section_cstart, $3  }
0x38: {  	[dreg:$0x1] =	wrdreg $0xFFFFFFFF  }
0x39: {  	_ =	task.clear_ibuf [dreg:s7], $0x2FFFF;
	_ =	strace $0x9FFFFFFF  }
0x3a: {  	(tm) =	ssettm $0x7FFFFFFF  }
0x3b: {  	_ =	shalt  }
tec
execute0_lowered:
.L_overlay_start_1:
0x0: {  	(tag) =	ssettag $0x1  }
0x1: {  	s0 =	stileid.u32;
	s8 =	rddreg [dreg:$0x0]  }
0x2: {  	s1 =	srdreg.scid;
	s31 =	rddreg [dreg:$0x1];
	s9 =	simm.s32 $0x2  }
0x3: {  	s16 =	simm.s32 $0x0;
	s2 =	sshll.u32 s0, $0x6;
	s3 =	sshll.u32 s1, $0xA  }
0x4: {  	s10 =	simm.s32 $0x40;
	s1 =	sand.u32 $0x1, s0;
	s2 =	sor.u32 s2, s3  }
0x5: {  	s29 =	sshrl.u32 s0, $0x1;
	s4 =	ssub.s32 $0x2, s1;
	s2 =	sand.u32 $0x700, s2  }
0x6: {  	s3 =	sand.u32 $0x1, s29;
	s5 =	sshrl.u32 s4, $0x1;
	s6 =	ssub.s32 $0x800, s2  }
0x7: {  	s4 =	sand.u32 $0x1, s4;
	s7 =	ssub.s32 $0x2, s3;
	s30 =	sand.u32 $0x700, s6  }
0x8: {  	s4 =	sadd.s32 s4, s5;
	s5 =	simm.s32 $0x1;
	p0 =	sne.s32 s30, $0x0  }
0x9: {  	s6 =	sshrl.u32 s6, $0xB;
	s4 =	smul.u32 s4, s7;
	s5 =	simm.s32 @!p0 $0x0  }
0xa: {  	s11 =	simm.s32 $0x80;
	s17 =	simm.s32 $0x0;
	s5 =	sadd.s32 s5, s6  }
0xb: {  	s18 =	simm.s32 $0x0;
	s19 =	simm.s32 $0x0;
	s6 =	smul.u32 s5, s4  }
.Ltmp0:
0xc: {  	s12 =	simm.s32 $0x0;
	s15 =	simm.s32 $0x0;
	(pc) =	sbr.rel .LBB1_1-.Ltmp0, $4  }
0xd: {  	s14 =	smov.u32 s1;
	s13 =	smov.u32 s3;
	s4 =	rddreg [dreg:$0x2]  }
0xe: {  	_ =	strace $0x80000047;
	s5 =	simm.s32 $0x1;
	s6 =	smul.u32 $0xC, s6  }
0xf: {  	s8 =	sadd.s32 s8, s2;
	s7 =	sadd.s32 $0x600, s31;
	[sflag:s5] =	ssyncpa.u1 $0x0  }
0x10: {  	p0 =	por $0x0, $0x0;
	[sflag:s9] =	ssyncpa.u1 $0x0;
	s9 =	sor.u32 $0x1, s6  }
.LBB1_4:
0x11: {  	_ = 	snop  }
0x12: {  	[tilespmem:s24+$0x1860 ss:$0x41] =	vst.msk $0xffff, v8  }
0x13: {  	[tilespmem:s24+$0x1C70 ss:$0x41] =	vst.msk $0xffff, v7  }
0x14: {  	[tilespmem:s24+$0x2490 ss:$0x41] =	vst.msk $0xffff, v1  }
0x15: {  	s27 =	sor.u32 s30, s29;
	v47 =	vld.idx.msk [tilespmem:v0+s22+$0x470 ss:$0x1], $0xffff;
	[tilespmem:s24+$0x28A0 ss:$0x41] =	vst.msk $0xffff, v2  }
0x16: {  	[tilespmem:s24+$0x2CB0 ss:$0x41] =	vst.msk $0xffff, v3;
	v57 =	vld.idx.msk [tilespmem:v0+s27+$0x410 ss:$0x1], $0xffff  }
0x17: {  	[tilespmem:s24+$0x30C0 ss:$0x41] =	vst.msk $0xffff, v4;
	v58 =	vld.idx.msk [tilespmem:v0+s27+$0x420 ss:$0x1], $0xffff  }
0x18: {  	[tilespmem:s24+$0x34D0 ss:$0x41] =	vst.msk $0xffff, v5;
	v59 =	vld.idx.msk [tilespmem:v0+s27+$0x430 ss:$0x1], $0xffff  }
0x19: {  	s31 =	sshra.s32 s25, $0x2;
	[tilespmem:s24+$0x38E0 ss:$0x41] =	vst.msk $0xffff, v6;
	v60 =	vld.idx.msk [tilespmem:v0+s27+$0x440 ss:$0x1], $0xffff  }
0x1a: {  	s28 =	sand.u32 $0x3B00, s27;
	s22 =	sadd.s32 s31, s23;
	v61 =	vld.idx.msk [tilespmem:v0+s27+$0x450 ss:$0x1], $0xffff;
	[tilespmem:s24+$0x3CF0 ss:$0x41] =	vst.msk $0xffff, v47  }
0x1b: {  	s26 =	sand.u32 $0x80, s26;
	v62 =	vld.idx.msk [tilespmem:v0+s27+$0x460 ss:$0x1], $0xffff;
	s21 =	sadd.s32 s28, s21;
	[tilespmem:s22+$0x2490 ss:$0x41] =	vst.msk $0xffff, v57  }
0x1c: {  	v63 =	vld.idx.msk [tilespmem:v0+s27+$0x470 ss:$0x1], $0xffff;
	s21 =	sadd.s32 s26, s21;
	[tilespmem:s22+$0x28A0 ss:$0x41] =	vst.msk $0xffff, v58  }
0x1d: {  	v48 =	vld [tilespmem:s21+$0x400];
	[tilespmem:s22+$0x2CB0 ss:$0x41] =	vst.msk $0xffff, v59  }
0x1e: {  	v49 =	vld [tilespmem:s21+$0x0];
	[tilespmem:s22+$0x30C0 ss:$0x41] =	vst.msk $0xffff, v60  }
0x1f: {  	v50 =	vld [tilespmem:s21+$0x10];
	[tilespmem:s22+$0x34D0 ss:$0x41] =	vst.msk $0xffff, v61  }
0x20: {  	v51 =	vld [tilespmem:s21+$0x20];
	[tilespmem:s22+$0x38E0 ss:$0x41] =	vst.msk $0xffff, v62  }
0x21: {  	v52 =	vld [tilespmem:s21+$0x30];
	[tilespmem:s22+$0x3CF0 ss:$0x41] =	vst.msk $0xffff, v63  }
0x22: {  	v53 =	vld [tilespmem:s21+$0x40];
	[tilespmem:s22+$0x2080 ss:$0x41] =	vst.msk $0xffff, v48  }
0x23: {  	v54 =	vld [tilespmem:s21+$0x50];
	[tilespmem:s22+$0x0 ss:$0x41] =	vst.msk $0xffff, v49  }
0x24: {  	v55 =	vld [tilespmem:s21+$0x60];
	[tilespmem:s22+$0x410 ss:$0x41] =	vst.msk $0xffff, v50  }
0x25: {  	s19 =	smul.u32 $0x60000, s19;
	v56 =	vld [tilespmem:s21+$0x70];
	[tilespmem:s22+$0x820 ss:$0x41] =	vst.msk $0xffff, v51  }
0x26: {  	s18 =	smul.u32 $0xC0000, s18;
	[tilespmem:s22+$0xC30 ss:$0x41] =	vst.msk $0xffff, v52  }
0x27: {  	s19 =	sadd.s32 s7, s19;
	[tilespmem:s22+$0x1040 ss:$0x41] =	vst.msk $0xffff, v53  }
0x28: {  	s17 =	sshll.u32 s17, $0xF;
	s18 =	sadd.s32 s18, s19;
	[tilespmem:s22+$0x1450 ss:$0x41] =	vst.msk $0xffff, v54  }
0x29: {  	s16 =	sshll.u32 s16, $0x4;
	s17 =	sadd.s32 s17, s18;
	[tilespmem:s22+$0x1860 ss:$0x41] =	vst.msk $0xffff, v55  }
0x2a: {  	s16 =	sadd.s32 s16, s17;
	[tilespmem:s22+$0x1C70 ss:$0x41] =	vst.msk $0xffff, v56  }
0x2b: {  	[hbm4b:s16+s10] =	stream.strided.scatter [tilespmem:s20], [sflag:$0x2], $0x4000, s11, s10, $0x18;
	[tilespmem:$0x10200] =	vst v63  }
.LBB1_5:
0x2c: {  	s20 =	sadd.s32 $0x1, s12  }
0x2d: {  	s16 =	sadd.s32 $0x2, s13;
	s21 =	smov.u32 s13;
	p2 =	sgt.s32 s20, $0xB  }
0x2e: {  	s21 =	smov.u32 @p2 s16  }
0x2f: {  	s17 =	sadd.s32 $0x2, s14;
	s22 =	smov.u32 s14;
	p3 =	sgt.s32 s21, $0x2  }
0x30: {  	s22 =	smov.u32 @p3 s17  }
0x31: {  	s20 =	simm.s32 @p2 $0x0;
	p2 =	sgt.s32 s22, $0x1  }
0x32: {  	p1 =	slt.u32 s15, $0x2;
	s22 =	smov.u32 @p2 s1;
	p2 =	sne.s32 s15, s9  }
.Ltmp1:
0x33: {  	s18 =	smov.u32 s13;
	s16 =	simm.s32 @!p1 $0x2;
	(pc) =	sbr.rel @!p2 .LBB1_6-.Ltmp1, $4  }
0x34: {  	s19 =	smov.u32 s14;
	p0 =	por !p0, !p0;
	_ =	swait.ge @!p1 [sflag:s16], $0x4000  }
0x35: {  	[sflag:s16] =	ssyncset.done @!p1 $0x0;
	s21 =	smov.u32 @p3 s3;
	s17 =	smov.u32 s12  }
0x36: {  	s12 =	smov.u32 s20;
	[sflag:s16] =	ssyncadd.s32 @!p1 $0xFFFFC000;
	s16 =	smov.u32 s2  }
0x37: {  	s13 =	smov.u32 s21;
	s15 =	sadd.s32 $0x1, s15;
	s14 =	smov.u32 s22  }
.LBB1_1:
0x38: {  	p1 =	sge.u32 s15, s6  }
0x39: {  	s20 =	smul.u32 @!p1 $0x90000, s14  }
0x3a: {  	s21 =	sxor.u32 @!p1 $0xFFFFFFFF, s15;
	s22 =	smul.u32 @!p1 $0x30000, s13  }
0x3b: {  	s31 =	sadd.s32 $0xFFFFFFFF, s15;
	s21 =	sshll.u32 @!p1 s21, $0xE;
	s20 =	sadd.s32 @!p1 s20, s8  }
0x3c: {  	s23 =	sshll.u32 @!p1 s12, $0xE;
	s21 =	sand.u32 @!p1 $0x4000, s21;
	s20 =	sadd.s32 @!p1 s22, s20  }
0x3d: {  	s22 =	simm.s32 @!p1 $0x800;
	s20 =	sadd.s32 @!p1 s23, s20;
	s23 =	simm.s32 @!p1 $0x4000  }
0x3e: {  	[tilespmem:s21], [sflag:$0x1] =	stream.strided.gather @!p1 [hbm4b:s20+s22], $0x4000, s23, s22, $0x38;
	[tilespmem:$0x10200] =	vst v63  }
0x3f: {  	p1 =	sge.u32 s31, s6  }
.Ltmp2:
0x40: {  	_ = 	snop;
	(pc) =	sbr.rel @p1 .LBB1_5-.Ltmp2, $1  }
0x41: {  	_ =	sdelay $0x3  }
0x42: {  	s23 =	simm.s32 $0x0  }
0x43: {  	s22 =	sand.u32 $0x3800, s23;
	s24 =	sand.u32 $0x380, s23  }
0x44: {  	s20 =	sand.u32 $0x1, s15;
	s22 =	sor.u32 s24, s22  }
0x45: {  	_ =	swait.ge [sflag:s5], $0x4000;
	s21 =	sshll.u32 s20, $0xE;
	s24 =	sand.u32 $0x3B00, s22  }
0x46: {  	[sflag:s5] =	ssyncset.done $0x0;
	s23 =	sand.u32 $0x80, s23;
	s24 =	sadd.s32 s24, s21  }
0x47: {  	[sflag:s5] =	ssyncadd.s32 $0xFFFFC000;
	s26 =	sadd.s32 s23, s24  }
0x48: {  	v4 =	vld [tilespmem:s26+$0x400]  }
0x49: {  	s25 =	simm.s32 $0x1;
	v5 =	vld [tilespmem:s26+$0x0]  }
0x4a: {  	s25 =	simm.s32 @!p0 $0x0;
	v6 =	vld [tilespmem:s26+$0x10]  }
0x4b: {  	v0 =	vmov s21;
	s31 =	smul.u32 $0x10400, s25;
	v7 =	vld [tilespmem:s26+$0x20]  }
0x4c: {  	v9 =	vld [tilespmem:s26+$0x30]  }
0x4d: {  	s23 =	sshrl.u32 s31, $0x2;
	v10 =	vld [tilespmem:s26+$0x40]  }
0x4e: {  	s23 =	sor.u32 $0x8000, s23;
	v11 =	vld [tilespmem:s26+$0x50]  }
0x4f: {  	v8 =	vld [tilespmem:s26+$0x60];
	s24 =	sadd.s32 $0x0, s23  }
0x50: {  	v1 =	vld.idx.msk [tilespmem:v0+s22+$0x410 ss:$0x1], $0xffff;
	[tilespmem:s24+$0x2080 ss:$0x41] =	vst.msk $0xffff, v4  }
0x51: {  	v2 =	vld.idx.msk [tilespmem:v0+s22+$0x420 ss:$0x1], $0xffff;
	[tilespmem:s24+$0x0 ss:$0x41] =	vst.msk $0xffff, v5  }
0x52: {  	v3 =	vld.idx.msk [tilespmem:v0+s22+$0x430 ss:$0x1], $0xffff;
	[tilespmem:s24+$0x410 ss:$0x41] =	vst.msk $0xffff, v6  }
0x53: {  	s20 =	smul.u32 $0x10400, s20;
	[tilespmem:s24+$0x820 ss:$0x41] =	vst.msk $0xffff, v7;
	v7 =	vld [tilespmem:s26+$0x70]  }
0x54: {  	s27 =	simm.s32 $0x100;
	s28 =	simm.s32 $0x8;
	[tilespmem:s24+$0xC30 ss:$0x41] =	vst.msk $0xffff, v9;
	v4 =	vld.idx.msk [tilespmem:v0+s22+$0x440 ss:$0x1], $0xffff  }
0x55: {  	s29 =	sand.u32 $0x3800, s27;
	s20 =	sshrl.u32 s20, $0x2;
	[tilespmem:s24+$0x1040 ss:$0x41] =	vst.msk $0xffff, v10;
	v5 =	vld.idx.msk [tilespmem:v0+s22+$0x450 ss:$0x1], $0xffff;
	s26 =	simm.s32 $0x80  }
0x56: {  	s25 =	simm.s32 $0x4;
	s20 =	sor.u32 $0x8000, s20;
	[tilespmem:s24+$0x1450 ss:$0x41] =	vst.msk $0xffff, v11;
	v6 =	vld.idx.msk [tilespmem:v0+s22+$0x460 ss:$0x1], $0xffff;
	s30 =	sand.u32 $0x380, s26  }
.LBB1_3:
0x57: {  	p1 =	sne.s32 s28, $0xFC;
	[tilespmem:s24+$0x1860 ss:$0x41] =	vst.msk $0xffff, v8;
	v8 =	vld.idx.msk [tilespmem:v0+s22+$0x470 ss:$0x1], $0xffff;
	s22 =	sor.u32 s30, s29  }
0x58: {  	s29 =	sand.u32 $0x3B00, s22;
	v9 =	vld.idx.msk [tilespmem:v0+s22+$0x410 ss:$0x1], $0xffff;
	[tilespmem:s24+$0x1C70 ss:$0x41] =	vst.msk $0xffff, v7  }
0x59: {  	s30 =	sand.u32 $0x80, s26;
	s29 =	sadd.s32 s29, s21;
	v7 =	vld.idx.msk [tilespmem:v0+s22+$0x420 ss:$0x1], $0xffff;
	[tilespmem:s24+$0x2490 ss:$0x41] =	vst.msk $0xffff, v1  }
0x5a: {  	s29 =	sadd.s32 s30, s29;
	v10 =	vld.idx.msk [tilespmem:v0+s22+$0x430 ss:$0x1], $0xffff;
	[tilespmem:s24+$0x28A0 ss:$0x41] =	vst.msk $0xffff, v2  }
0x5b: {  	v11 =	vld [tilespmem:s29+$0x400];
	[tilespmem:s24+$0x2CB0 ss:$0x41] =	vst.msk $0xffff, v3  }
0x5c: {  	v12 =	vld [tilespmem:s29+$0x0];
	[tilespmem:s24+$0x30C0 ss:$0x41] =	vst.msk $0xffff, v4  }
0x5d: {  	v4 =	vld [tilespmem:s29+$0x10];
	[tilespmem:s24+$0x34D0 ss:$0x41] =	vst.msk $0xffff, v5  }
0x5e: {  	s30 =	sshra.s32 s25, $0x2;
	s25 =	smov.u32 s28;
	v1 =	vmov v9;
	v5 =	vld [tilespmem:s29+$0x20];
	[tilespmem:s24+$0x38E0 ss:$0x41] =	vst.msk $0xffff, v6  }
0x5f: {  	v2 =	vmov v7;
	v6 =	vld [tilespmem:s29+$0x30];
	[tilespmem:s24+$0x3CF0 ss:$0x41] =	vst.msk $0xffff, v8;
	s24 =	sadd.s32 s30, s23  }
0x60: {  	v3 =	vmov v10;
	v9 =	vld [tilespmem:s29+$0x40];
	[tilespmem:s24+$0x2080 ss:$0x41] =	vst.msk $0xffff, v11  }
0x61: {  	[tilespmem:s24+$0x0 ss:$0x41] =	vst.msk $0xffff, v12;
	v10 =	vld [tilespmem:s29+$0x50]  }
.Ltmp3:
0x62: {  	[tilespmem:s24+$0x410 ss:$0x41] =	vst.msk $0xffff, v4;
	v8 =	vld [tilespmem:s29+$0x60];
	(pc) =	sbr.rel @p1 .LBB1_3-.Ltmp3, $4  }
0x63: {  	[tilespmem:s24+$0x820 ss:$0x41] =	vst.msk $0xffff, v5;
	v7 =	vld [tilespmem:s29+$0x70]  }
0x64: {  	[tilespmem:s24+$0xC30 ss:$0x41] =	vst.msk $0xffff, v6;
	v4 =	vld.idx.msk [tilespmem:v0+s22+$0x440 ss:$0x1], $0xffff  }
0x65: {  	s26 =	sadd.s32 $0x80, s26;
	s27 =	sadd.s32 $0x100, s27;
	[tilespmem:s24+$0x1040 ss:$0x41] =	vst.msk $0xffff, v9;
	v5 =	vld.idx.msk [tilespmem:v0+s22+$0x450 ss:$0x1], $0xffff  }
0x66: {  	s28 =	sadd.s32 $0x4, s28;
	s30 =	sand.u32 $0x380, s26;
	s29 =	sand.u32 $0x3800, s27;
	[tilespmem:s24+$0x1450 ss:$0x41] =	vst.msk $0xffff, v10;
	v6 =	vld.idx.msk [tilespmem:v0+s22+$0x460 ss:$0x1], $0xffff  }
.Ltmp4:
0x67: {  	_ = 	snop;
	(pc) =	sbr.rel .LBB1_4-.Ltmp4, $1  }
0x68: {  	_ =	sdelay $0x3  }
.LBB1_6:
0x69: {  	_ =	sfence.sel $0x180000  }
0x6a: {  	s1 =	simm.s32 $0x1;
	[bflag:$0x0] =	sbarrier.arrive $0xFFFF  }
0x6b: {  	s31 =	simm.s32 $0x2;
	[sflag:s1] =	ssyncpa.u1 $0x1  }
0x6c: {  	[sflag:s31] =	ssyncpa.u1 $0x1  }
0x6d: {  	p0 =	sne.s32 s0, $0x0;
	_ =	strace $0x90000047  }
0x6e: {  	s0 =	sadd.s32 @!p0 $0x100000, s4;
	[bflag:$0x2] =	sbarrier.arrive $0xFFFF  }
0x6f: {  	[sflag:s0] =	ssyncadd.tile.s32 @!p0 $0x1;
	_ =	shalt  }
.Lfunc_end1:
_tile_overlayer_lowered:
.L_overlay_start_2:
0x70: {  	(tag) =	ssettag $0x2  }
0x71: {  	s0 =	rddreg [dreg:$0x0];
	s2 =	stileid.u32  }
0x72: {  	s1 =	rddreg [dreg:$0x1];
	p0 =	sne.s32 s2, $0x0  }
0x73: {  	s3 =	rddreg [dreg:$0x2];
	[bflag:$0x3] =	sbarrier.arrive $0xFFFF;
	s2 =	simm.s32 @!p0 $0x1C01  }
0x74: {  	[timem:s3], [sflag:s2] =	dma.local @!p0 [hbm:s0], s1  }
0x75: {  	s0 =	simm.s32 @!p0 $0x1  }
0x76: {  	_ =	swait.ge @!p0 [sflag:s0], s1  }
0x77: {  	s1 =	ssub.s32 @!p0 $0x0, s1;
	[sflag:s0] =	ssyncset.done @!p0 $0x0  }
0x78: {  	[sflag:s0] =	ssyncadd.s32 @!p0 s1  }
0x79: {  	[bflag:$0x3] =	sbarrier.arrive $0xFFFF  }
0x7a: {  	_ =	shalt  }

</sc_bundles>
